<compile_context>
chip_gen: v7x
topology: tpu7x:2x2x1
jax: 0.10.2.dev20260603
libtpu: 0.0.44.dev20260713+nightly
codegen_flags: <defaults>
</compile_context>

<pallas_src>
import jax
import jax.numpy as jnp
from jax import lax
from jax.experimental import pallas as pl
from jax.experimental.pallas import tpu as pltpu
from jax.experimental.pallas import tpu_sc as plsc

_B = 16
_D = 2048
_LANES = 16
_UNROLL = 8


def _pooler_body(hs_hbm, lens_hbm, out_hbm, lens_v, idx_v, row_v, sem):
    s = lax.axis_index("s")

    pltpu.sync_copy(lens_hbm, lens_v)
    lens = lens_v[...]
    last_idx = plsc.cumsum(lens) - 1
    lanes = lax.iota(jnp.int32, _LANES)
    plsc.store_scatter(
        idx_v,
        [jnp.zeros((_LANES,), jnp.int32)],
        last_idx,
        mask=lanes == s,
    )
    pltpu.async_copy(hs_hbm.at[idx_v], row_v, sem).wait()

    def _ssq_step(j, acc):
        base = j * (_UNROLL * _LANES)
        for k in range(_UNROLL):
            v = row_v[0, pl.ds(base + k * _LANES, _LANES)]
            acc = acc + v * v
        return acc

    acc = lax.fori_loop(
        0, _D // (_UNROLL * _LANES), _ssq_step, jnp.zeros((_LANES,), jnp.float32)
    )
    ssum = jnp.sum(acc)

    sv = jnp.maximum(jnp.full((_LANES,), ssum, jnp.float32), 1e-24)
    bits = plsc.bitcast(sv, jnp.int32)
    x = plsc.bitcast(jnp.int32(0x5F3759DF) - (bits >> 1), jnp.float32)
    half = sv * 0.5
    for _ in range(3):
        x = x * (1.5 - half * x * x)

    def _scale_step(j, x):
        base = j * (_UNROLL * _LANES)
        for k in range(_UNROLL):
            sl = pl.ds(base + k * _LANES, _LANES)
            row_v[0, sl] = row_v[0, sl] * x
        return x

    lax.fori_loop(0, _D // (_UNROLL * _LANES), _scale_step, x)
    pltpu.sync_copy(row_v, out_hbm.at[pl.ds(s, 1)])


@jax.jit
def _pooler(hidden_states, prompt_lens):
    mesh = plsc.VectorSubcoreMesh(
        core_axis_name="c", subcore_axis_name="s", num_cores=1
    )
    return pl.kernel(
        _pooler_body,
        out_type=jax.ShapeDtypeStruct((_B, _D), jnp.float32),
        mesh=mesh,
        compiler_params=pltpu.CompilerParams(
            needs_layout_passes=False, skip_device_barrier=True
        ),
        scratch_types=[
            pltpu.VMEM((_B,), jnp.int32),
            pltpu.VMEM((1,), jnp.int32),
            pltpu.VMEM((1, _D), jnp.float32),
            pltpu.SemaphoreType.DMA,
        ],
    )(hidden_states, prompt_lens)


def kernel(hidden_states, prompt_lens):
    return _pooler(hidden_states, prompt_lens.astype(jnp.int32))

# --- scband reference (transcript-rebuilt; emitter-appended) ---
"""Pipeline reference for scband-pooler-53240414601389 (READ-ONLY COPY).

The authoritative reference and input builder live on the scoring server;
editing this copy changes nothing except your own understanding.
"""

import jax, jax.numpy as jnp
import numpy as np


def setup_inputs(seed: int = 0) -> dict:
    key = jax.random.key(seed)
    k1, k2 = jax.random.split(key)
    total_tokens = 32768
    d_model = 2048
    B = 16
    hidden_states = jax.random.normal(k1, (total_tokens, d_model), dtype=jnp.float32)
    # prompt lens >= 1 so cumsum-1 indices are valid; sum <= 16*2047 < 32768
    prompt_lens = jnp.sort(jax.random.randint(k2, (B,), 1, 2048)).astype(jnp.int32)
    return {"hidden_states": hidden_states, "prompt_lens": prompt_lens}


def reference(hidden_states, prompt_lens):
    # PoolingType.LAST: gather the last token of each prompt from the flat
    # (ragged) token stream, then L2-normalize (normalize=True, softmax=False).
    last_token_flat_indices = jnp.cumsum(prompt_lens.astype(jnp.int64)) - 1
    pooled = jnp.take(hidden_states, last_token_flat_indices, axis=0)
    norm = jnp.sqrt(jnp.sum(pooled * pooled, axis=1, keepdims=True))
    pooled = pooled / jnp.maximum(norm, 1e-12)
    return pooled

if __name__ == "__main__":
    import jax
    _d = setup_inputs()
    print(jax.jit(kernel)(*tuple(_d.values())))

</pallas_src>

<mosaic_0001>
#map = affine_map<(d0, d1) -> (0, 0)>
#map1 = affine_map<(d0, d1) -> (0)>
module attributes {stable_mosaic.version = 14 : i64} {
  func.func @_pooler_body(%arg0: i32, %arg1: i32, %arg2: memref<32768x2048xf32, #tpu.memory_space<hbm>>, %arg3: memref<16xi32, #tpu.memory_space<hbm>>, %arg4: memref<16x2048xf32, #tpu.memory_space<hbm>>, %arg5: memref<16xi32, #tpu.memory_space<vmem>>, %arg6: memref<1xi32, #tpu.memory_space<vmem>>, %arg7: memref<1x2048xf32, #tpu.memory_space<vmem>>, %arg8: memref<!tpu.dma_semaphore, #tpu.memory_space<semaphore_mem>>) attributes {dimension_semantics = [#tpu.dimension_semantics<core_parallel>, #tpu.dimension_semantics<subcore_parallel>], iteration_bounds = array<i64: 1, 16>, scalar_prefetch = 0 : i64, scratch_operands = 4 : i64, tpu.core_type = #tpu.core_type<sc_vector_subcore>, window_params = [{transform_indices = #map}, {transform_indices = #map1}, {transform_indices = #map}]} {
    "tpu.region"() ({
      %run_scoped3A = tpu.sem_alloc : memref<!tpu.dma_semaphore, #tpu.memory_space<semaphore_mem>>
      tpu.enqueue_dma source(%arg3 : memref<16xi32, #tpu.memory_space<hbm>>) target(%arg5 : memref<16xi32, #tpu.memory_space<vmem>>) target_semaphore(%run_scoped3A : memref<!tpu.dma_semaphore, #tpu.memory_space<semaphore_mem>>)
      tpu.wait_dma2 semaphore(%run_scoped3A : memref<!tpu.dma_semaphore, #tpu.memory_space<semaphore_mem>>) src(%arg3 : memref<16xi32, #tpu.memory_space<hbm>>) dst(%arg5 : memref<16xi32, #tpu.memory_space<vmem>>)
      tpu.yield
    }) : () -> ()
    %get3A = arith.constant 0 : index
    %get3A_0 = tpu.vector_load %arg5[%get3A] {strides = array<i32>} : memref<16xi32, #tpu.memory_space<vmem>>, vector<16xi32>,
    %broadcast_in_dim3A = arith.constant true
    %broadcast_in_dim3A_1 = vector.broadcast %broadcast_in_dim3A : i1 to vector<16xi1>
    %masked_cumsum3A = tpu.scan <sum>, %get3A_0 masked %broadcast_in_dim3A_1 : vector<16xi32>, vector<16xi1> -> vector<16xi32>
    %sub3A = arith.constant 1 : i32
    %sub3A_2 = vector.broadcast %sub3A : i32 to vector<16xi32>
    %sub3A_3 = arith.subi %masked_cumsum3A, %sub3A_2 : vector<16xi32>
    %iota3A = tpu.iota {dimensions = array<i32: 0>} : vector<16xi32>
    %broadcast_in_dim3A_4 = arith.constant 0 : i32
    %broadcast_in_dim3A_5 = vector.broadcast %broadcast_in_dim3A_4 : i32 to vector<16xi32>
    %eq3A = vector.broadcast %arg1 : i32 to vector<16xi32>
    %eq3A_6 = arith.cmpi eq, %iota3A, %eq3A : vector<16xi32>
    tpu.vector_store_idx %arg6[%broadcast_in_dim3A_5], %sub3A_3 masked %eq3A_6 : memref<1xi32, #tpu.memory_space<vmem>>[vector<16xi32>], vector<16xi32>, vector<16xi1>
    %dma_start3A = arith.constant 0 : i32
    %dma_start3A_7 = arith.constant 0 : i32
    %dma_start3A_8 = tpu.memref_slice %arg2[%dma_start3A, %dma_start3A_7] : memref<32768x2048xf32, #tpu.memory_space<hbm>> -> memref<32768x2048xf32, #tpu.memory_space<hbm>>
    tpu.enqueue_indirect_dma source(%dma_start3A_8 : memref<32768x2048xf32, #tpu.memory_space<hbm>>) target(%arg7 : memref<1x2048xf32, #tpu.memory_space<vmem>>) offsets(%arg6 : memref<1xi32, #tpu.memory_space<vmem>>) semaphore(%arg8 : memref<!tpu.dma_semaphore, #tpu.memory_space<semaphore_mem>>)
    %dma_wait3A = arith.constant 0 : i32
    %dma_wait3A_9 = arith.constant 0 : i32
    %dma_wait3A_10 = tpu.memref_slice %arg2[%dma_wait3A, %dma_wait3A_9] : memref<32768x2048xf32, #tpu.memory_space<hbm>> -> memref<32768x2048xf32, #tpu.memory_space<hbm>>
    tpu.wait_indirect_dma semaphore(%arg8 : memref<!tpu.dma_semaphore, #tpu.memory_space<semaphore_mem>>) src(%dma_wait3A_10 : memref<32768x2048xf32, #tpu.memory_space<hbm>>) dst(%arg7 : memref<1x2048xf32, #tpu.memory_space<vmem>>)
    %broadcast_in_dim3A_11 = arith.constant 0.000000e+00 : f32
    %broadcast_in_dim3A_12 = vector.broadcast %broadcast_in_dim3A_11 : f32 to vector<16xf32>
    %scan3A = arith.constant 0 : i32
    %scan3A_13 = arith.constant 16 : i32
    %scan3A_14 = arith.addi %scan3A, %scan3A_13 : i32
    %scan3A_15 = arith.constant 1 : i32
    %scan3A_16 = scf.for %scan3A_55 = %scan3A to %scan3A_14 step %scan3A_15 iter_args(%scan3A_56 = %broadcast_in_dim3A_12) -> (vector<16xf32>)  : i32 {
      %mul3A_57 = arith.constant 128 : i32
      %mul3A_58 = arith.muli %scan3A_55, %mul3A_57 : i32
      %add3A = arith.constant 0 : i32
      %add3A_59 = arith.addi %mul3A_58, %add3A : i32
      %get3A_60 = arith.constant 0 : i32
      %get3A_61 = arith.index_cast %get3A_60 : i32 to index
      %get3A_62 = arith.index_cast %add3A_59 : i32 to index
      %get3A_63 = tpu.vector_load %arg7[%get3A_61, %get3A_62] {strides = array<i32>} : memref<1x2048xf32, #tpu.memory_space<vmem>>, vector<16xf32>,
      %mul3A_64 = arith.mulf %get3A_63, %get3A_63 : vector<16xf32>
      %add3A_65 = arith.addf %scan3A_56, %mul3A_64 : vector<16xf32>
      %add3A_66 = arith.constant 16 : i32
      %add3A_67 = arith.addi %mul3A_58, %add3A_66 : i32
      %get3A_68 = arith.constant 0 : i32
      %get3A_69 = arith.index_cast %get3A_68 : i32 to index
      %get3A_70 = arith.index_cast %add3A_67 : i32 to index
      %get3A_71 = tpu.vector_load %arg7[%get3A_69, %get3A_70] {strides = array<i32>} : memref<1x2048xf32, #tpu.memory_space<vmem>>, vector<16xf32>,
      %mul3A_72 = arith.mulf %get3A_71, %get3A_71 : vector<16xf32>
      %add3A_73 = arith.addf %add3A_65, %mul3A_72 : vector<16xf32>
      %add3A_74 = arith.constant 32 : i32
      %add3A_75 = arith.addi %mul3A_58, %add3A_74 : i32
      %get3A_76 = arith.constant 0 : i32
      %get3A_77 = arith.index_cast %get3A_76 : i32 to index
      %get3A_78 = arith.index_cast %add3A_75 : i32 to index
      %get3A_79 = tpu.vector_load %arg7[%get3A_77, %get3A_78] {strides = array<i32>} : memref<1x2048xf32, #tpu.memory_space<vmem>>, vector<16xf32>,
      %mul3A_80 = arith.mulf %get3A_79, %get3A_79 : vector<16xf32>
      %add3A_81 = arith.addf %add3A_73, %mul3A_80 : vector<16xf32>
      %add3A_82 = arith.constant 48 : i32
      %add3A_83 = arith.addi %mul3A_58, %add3A_82 : i32
      %get3A_84 = arith.constant 0 : i32
      %get3A_85 = arith.index_cast %get3A_84 : i32 to index
      %get3A_86 = arith.index_cast %add3A_83 : i32 to index
      %get3A_87 = tpu.vector_load %arg7[%get3A_85, %get3A_86] {strides = array<i32>} : memref<1x2048xf32, #tpu.memory_space<vmem>>, vector<16xf32>,
      %mul3A_88 = arith.mulf %get3A_87, %get3A_87 : vector<16xf32>
      %add3A_89 = arith.addf %add3A_81, %mul3A_88 : vector<16xf32>
      %add3A_90 = arith.constant 64 : i32
      %add3A_91 = arith.addi %mul3A_58, %add3A_90 : i32
      %get3A_92 = arith.constant 0 : i32
      %get3A_93 = arith.index_cast %get3A_92 : i32 to index
      %get3A_94 = arith.index_cast %add3A_91 : i32 to index
      %get3A_95 = tpu.vector_load %arg7[%get3A_93, %get3A_94] {strides = array<i32>} : memref<1x2048xf32, #tpu.memory_space<vmem>>, vector<16xf32>,
      %mul3A_96 = arith.mulf %get3A_95, %get3A_95 : vector<16xf32>
      %add3A_97 = arith.addf %add3A_89, %mul3A_96 : vector<16xf32>
      %add3A_98 = arith.constant 80 : i32
      %add3A_99 = arith.addi %mul3A_58, %add3A_98 : i32
      %get3A_100 = arith.constant 0 : i32
      %get3A_101 = arith.index_cast %get3A_100 : i32 to index
      %get3A_102 = arith.index_cast %add3A_99 : i32 to index
      %get3A_103 = tpu.vector_load %arg7[%get3A_101, %get3A_102] {strides = array<i32>} : memref<1x2048xf32, #tpu.memory_space<vmem>>, vector<16xf32>,
      %mul3A_104 = arith.mulf %get3A_103, %get3A_103 : vector<16xf32>
      %add3A_105 = arith.addf %add3A_97, %mul3A_104 : vector<16xf32>
      %add3A_106 = arith.constant 96 : i32
      %add3A_107 = arith.addi %mul3A_58, %add3A_106 : i32
      %get3A_108 = arith.constant 0 : i32
      %get3A_109 = arith.index_cast %get3A_108 : i32 to index
      %get3A_110 = arith.index_cast %add3A_107 : i32 to index
      %get3A_111 = tpu.vector_load %arg7[%get3A_109, %get3A_110] {strides = array<i32>} : memref<1x2048xf32, #tpu.memory_space<vmem>>, vector<16xf32>,
      %mul3A_112 = arith.mulf %get3A_111, %get3A_111 : vector<16xf32>
      %add3A_113 = arith.addf %add3A_105, %mul3A_112 : vector<16xf32>
      %add3A_114 = arith.constant 112 : i32
      %add3A_115 = arith.addi %mul3A_58, %add3A_114 : i32
      %get3A_116 = arith.constant 0 : i32
      %get3A_117 = arith.index_cast %get3A_116 : i32 to index
      %get3A_118 = arith.index_cast %add3A_115 : i32 to index
      %get3A_119 = tpu.vector_load %arg7[%get3A_117, %get3A_118] {strides = array<i32>} : memref<1x2048xf32, #tpu.memory_space<vmem>>, vector<16xf32>,
      %mul3A_120 = arith.mulf %get3A_119, %get3A_119 : vector<16xf32>
      %add3A_121 = arith.addf %add3A_113, %mul3A_120 : vector<16xf32>
      scf.yield %add3A_121 : vector<16xf32>
    }
    %scan3A_17 = arith.constant 16 : i32
    %reduce_sum3A = arith.constant true
    %reduce_sum3A_18 = vector.broadcast %reduce_sum3A : i1 to vector<16xi1>
    %reduce_sum3A_19 = tpu.scan <sum>, %scan3A_16 masked %reduce_sum3A_18 : vector<16xf32>, vector<16xi1> -> vector<16xf32>
    %reduce_sum3A_20 = vector.extract %reduce_sum3A_19[15] : f32 from vector<16xf32>
    %broadcast_in_dim3A_21 = vector.broadcast %reduce_sum3A_20 : f32 to vector<16xf32>
    %max3A = arith.constant 1.000000e-24 : f32
    %max3A_22 = vector.broadcast %max3A : f32 to vector<16xf32>
    %max3A_23 = arith.maximumf %broadcast_in_dim3A_21, %max3A_22 : vector<16xf32>
    %bitcast3A = vector.bitcast %max3A_23 : vector<16xf32> to vector<16xi32>
    %shift_right_arithmetic3A = arith.constant 1 : i32
    %shift_right_arithmetic3A_24 = vector.broadcast %shift_right_arithmetic3A : i32 to vector<16xi32>
    %shift_right_arithmetic3A_25 = arith.shrsi %bitcast3A, %shift_right_arithmetic3A_24 : vector<16xi32>
    %sub3A_26 = arith.constant 1597463007 : i32
    %sub3A_27 = vector.broadcast %sub3A_26 : i32 to vector<16xi32>
    %sub3A_28 = arith.subi %sub3A_27, %shift_right_arithmetic3A_25 : vector<16xi32>
    %bitcast3A_29 = vector.bitcast %sub3A_28 : vector<16xi32> to vector<16xf32>
    %mul3A = arith.constant 5.000000e-01 : f32
    %mul3A_30 = vector.broadcast %mul3A : f32 to vector<16xf32>
    %mul3A_31 = arith.mulf %max3A_23, %mul3A_30 : vector<16xf32>
    %mul3A_32 = arith.mulf %mul3A_31, %bitcast3A_29 : vector<16xf32>
    %mul3A_33 = arith.mulf %mul3A_32, %bitcast3A_29 : vector<16xf32>
    %sub3A_34 = arith.constant 1.500000e+00 : f32
    %sub3A_35 = vector.broadcast %sub3A_34 : f32 to vector<16xf32>
    %sub3A_36 = arith.subf %sub3A_35, %mul3A_33 : vector<16xf32>
    %mul3A_37 = arith.mulf %bitcast3A_29, %sub3A_36 : vector<16xf32>
    %mul3A_38 = arith.mulf %mul3A_31, %mul3A_37 : vector<16xf32>
    %mul3A_39 = arith.mulf %mul3A_38, %mul3A_37 : vector<16xf32>
    %sub3A_40 = arith.constant 1.500000e+00 : f32
    %sub3A_41 = vector.broadcast %sub3A_40 : f32 to vector<16xf32>
    %sub3A_42 = arith.subf %sub3A_41, %mul3A_39 : vector<16xf32>
    %mul3A_43 = arith.mulf %mul3A_37, %sub3A_42 : vector<16xf32>
    %mul3A_44 = arith.mulf %mul3A_31, %mul3A_43 : vector<16xf32>
    %mul3A_45 = arith.mulf %mul3A_44, %mul3A_43 : vector<16xf32>
    %sub3A_46 = arith.constant 1.500000e+00 : f32
    %sub3A_47 = vector.broadcast %sub3A_46 : f32 to vector<16xf32>
    %sub3A_48 = arith.subf %sub3A_47, %mul3A_45 : vector<16xf32>
    %mul3A_49 = arith.mulf %mul3A_43, %sub3A_48 : vector<16xf32>
    %scan3A_50 = arith.constant 0 : i32
    %scan3A_51 = arith.constant 16 : i32
    %scan3A_52 = arith.addi %scan3A_50, %scan3A_51 : i32
    %scan3A_53 = arith.constant 1 : i32
    scf.for %scan3A_55 = %scan3A_50 to %scan3A_52 step %scan3A_53  : i32 {
      %mul3A_56 = arith.constant 128 : i32
      %mul3A_57 = arith.muli %scan3A_55, %mul3A_56 : i32
      %add3A = arith.constant 0 : i32
      %add3A_58 = arith.addi %mul3A_57, %add3A : i32
      %get3A_59 = arith.constant 0 : i32
      %get3A_60 = arith.index_cast %get3A_59 : i32 to index
      %get3A_61 = arith.index_cast %add3A_58 : i32 to index
      %get3A_62 = tpu.vector_load %arg7[%get3A_60, %get3A_61] {strides = array<i32>} : memref<1x2048xf32, #tpu.memory_space<vmem>>, vector<16xf32>,
      %mul3A_63 = arith.mulf %get3A_62, %mul3A_49 : vector<16xf32>
      %swap3A = arith.constant 0 : i32
      %swap3A_64 = arith.index_cast %swap3A : i32 to index
      %swap3A_65 = arith.index_cast %add3A_58 : i32 to index
      %swap3A_66 = tpu.vector_load %arg7[%swap3A_64, %swap3A_65] {strides = array<i32>} : memref<1x2048xf32, #tpu.memory_space<vmem>>, vector<16xf32>,
      tpu.vector_store %arg7[%swap3A_64, %swap3A_65], %mul3A_63 {strides = array<i32>} : memref<1x2048xf32, #tpu.memory_space<vmem>>, vector<16xf32>,
      %add3A_67 = arith.constant 16 : i32
      %add3A_68 = arith.addi %mul3A_57, %add3A_67 : i32
      %get3A_69 = arith.constant 0 : i32
      %get3A_70 = arith.index_cast %get3A_69 : i32 to index
      %get3A_71 = arith.index_cast %add3A_68 : i32 to index
      %get3A_72 = tpu.vector_load %arg7[%get3A_70, %get3A_71] {strides = array<i32>} : memref<1x2048xf32, #tpu.memory_space<vmem>>, vector<16xf32>,
      %mul3A_73 = arith.mulf %get3A_72, %mul3A_49 : vector<16xf32>
      %swap3A_74 = arith.constant 0 : i32
      %swap3A_75 = arith.index_cast %swap3A_74 : i32 to index
      %swap3A_76 = arith.index_cast %add3A_68 : i32 to index
      %swap3A_77 = tpu.vector_load %arg7[%swap3A_75, %swap3A_76] {strides = array<i32>} : memref<1x2048xf32, #tpu.memory_space<vmem>>, vector<16xf32>,
      tpu.vector_store %arg7[%swap3A_75, %swap3A_76], %mul3A_73 {strides = array<i32>} : memref<1x2048xf32, #tpu.memory_space<vmem>>, vector<16xf32>,
      %add3A_78 = arith.constant 32 : i32
      %add3A_79 = arith.addi %mul3A_57, %add3A_78 : i32
      %get3A_80 = arith.constant 0 : i32
      %get3A_81 = arith.index_cast %get3A_80 : i32 to index
      %get3A_82 = arith.index_cast %add3A_79 : i32 to index
      %get3A_83 = tpu.vector_load %arg7[%get3A_81, %get3A_82] {strides = array<i32>} : memref<1x2048xf32, #tpu.memory_space<vmem>>, vector<16xf32>,
      %mul3A_84 = arith.mulf %get3A_83, %mul3A_49 : vector<16xf32>
      %swap3A_85 = arith.constant 0 : i32
      %swap3A_86 = arith.index_cast %swap3A_85 : i32 to index
      %swap3A_87 = arith.index_cast %add3A_79 : i32 to index
      %swap3A_88 = tpu.vector_load %arg7[%swap3A_86, %swap3A_87] {strides = array<i32>} : memref<1x2048xf32, #tpu.memory_space<vmem>>, vector<16xf32>,
      tpu.vector_store %arg7[%swap3A_86, %swap3A_87], %mul3A_84 {strides = array<i32>} : memref<1x2048xf32, #tpu.memory_space<vmem>>, vector<16xf32>,
      %add3A_89 = arith.constant 48 : i32
      %add3A_90 = arith.addi %mul3A_57, %add3A_89 : i32
      %get3A_91 = arith.constant 0 : i32
      %get3A_92 = arith.index_cast %get3A_91 : i32 to index
      %get3A_93 = arith.index_cast %add3A_90 : i32 to index
      %get3A_94 = tpu.vector_load %arg7[%get3A_92, %get3A_93] {strides = array<i32>} : memref<1x2048xf32, #tpu.memory_space<vmem>>, vector<16xf32>,
      %mul3A_95 = arith.mulf %get3A_94, %mul3A_49 : vector<16xf32>
      %swap3A_96 = arith.constant 0 : i32
      %swap3A_97 = arith.index_cast %swap3A_96 : i32 to index
      %swap3A_98 = arith.index_cast %add3A_90 : i32 to index
      %swap3A_99 = tpu.vector_load %arg7[%swap3A_97, %swap3A_98] {strides = array<i32>} : memref<1x2048xf32, #tpu.memory_space<vmem>>, vector<16xf32>,
      tpu.vector_store %arg7[%swap3A_97, %swap3A_98], %mul3A_95 {strides = array<i32>} : memref<1x2048xf32, #tpu.memory_space<vmem>>, vector<16xf32>,
      %add3A_100 = arith.constant 64 : i32
      %add3A_101 = arith.addi %mul3A_57, %add3A_100 : i32
      %get3A_102 = arith.constant 0 : i32
      %get3A_103 = arith.index_cast %get3A_102 : i32 to index
      %get3A_104 = arith.index_cast %add3A_101 : i32 to index
      %get3A_105 = tpu.vector_load %arg7[%get3A_103, %get3A_104] {strides = array<i32>} : memref<1x2048xf32, #tpu.memory_space<vmem>>, vector<16xf32>,
      %mul3A_106 = arith.mulf %get3A_105, %mul3A_49 : vector<16xf32>
      %swap3A_107 = arith.constant 0 : i32
      %swap3A_108 = arith.index_cast %swap3A_107 : i32 to index
      %swap3A_109 = arith.index_cast %add3A_101 : i32 to index
      %swap3A_110 = tpu.vector_load %arg7[%swap3A_108, %swap3A_109] {strides = array<i32>} : memref<1x2048xf32, #tpu.memory_space<vmem>>, vector<16xf32>,
      tpu.vector_store %arg7[%swap3A_108, %swap3A_109], %mul3A_106 {strides = array<i32>} : memref<1x2048xf32, #tpu.memory_space<vmem>>, vector<16xf32>,
      %add3A_111 = arith.constant 80 : i32
      %add3A_112 = arith.addi %mul3A_57, %add3A_111 : i32
      %get3A_113 = arith.constant 0 : i32
      %get3A_114 = arith.index_cast %get3A_113 : i32 to index
      %get3A_115 = arith.index_cast %add3A_112 : i32 to index
      %get3A_116 = tpu.vector_load %arg7[%get3A_114, %get3A_115] {strides = array<i32>} : memref<1x2048xf32, #tpu.memory_space<vmem>>, vector<16xf32>,
      %mul3A_117 = arith.mulf %get3A_116, %mul3A_49 : vector<16xf32>
      %swap3A_118 = arith.constant 0 : i32
      %swap3A_119 = arith.index_cast %swap3A_118 : i32 to index
      %swap3A_120 = arith.index_cast %add3A_112 : i32 to index
      %swap3A_121 = tpu.vector_load %arg7[%swap3A_119, %swap3A_120] {strides = array<i32>} : memref<1x2048xf32, #tpu.memory_space<vmem>>, vector<16xf32>,
      tpu.vector_store %arg7[%swap3A_119, %swap3A_120], %mul3A_117 {strides = array<i32>} : memref<1x2048xf32, #tpu.memory_space<vmem>>, vector<16xf32>,
      %add3A_122 = arith.constant 96 : i32
      %add3A_123 = arith.addi %mul3A_57, %add3A_122 : i32
      %get3A_124 = arith.constant 0 : i32
      %get3A_125 = arith.index_cast %get3A_124 : i32 to index
      %get3A_126 = arith.index_cast %add3A_123 : i32 to index
      %get3A_127 = tpu.vector_load %arg7[%get3A_125, %get3A_126] {strides = array<i32>} : memref<1x2048xf32, #tpu.memory_space<vmem>>, vector<16xf32>,
      %mul3A_128 = arith.mulf %get3A_127, %mul3A_49 : vector<16xf32>
      %swap3A_129 = arith.constant 0 : i32
      %swap3A_130 = arith.index_cast %swap3A_129 : i32 to index
      %swap3A_131 = arith.index_cast %add3A_123 : i32 to index
      %swap3A_132 = tpu.vector_load %arg7[%swap3A_130, %swap3A_131] {strides = array<i32>} : memref<1x2048xf32, #tpu.memory_space<vmem>>, vector<16xf32>,
      tpu.vector_store %arg7[%swap3A_130, %swap3A_131], %mul3A_128 {strides = array<i32>} : memref<1x2048xf32, #tpu.memory_space<vmem>>, vector<16xf32>,
      %add3A_133 = arith.constant 112 : i32
      %add3A_134 = arith.addi %mul3A_57, %add3A_133 : i32
      %get3A_135 = arith.constant 0 : i32
      %get3A_136 = arith.index_cast %get3A_135 : i32 to index
      %get3A_137 = arith.index_cast %add3A_134 : i32 to index
      %get3A_138 = tpu.vector_load %arg7[%get3A_136, %get3A_137] {strides = array<i32>} : memref<1x2048xf32, #tpu.memory_space<vmem>>, vector<16xf32>,
      %mul3A_139 = arith.mulf %get3A_138, %mul3A_49 : vector<16xf32>
      %swap3A_140 = arith.constant 0 : i32
      %swap3A_141 = arith.index_cast %swap3A_140 : i32 to index
      %swap3A_142 = arith.index_cast %add3A_134 : i32 to index
      %swap3A_143 = tpu.vector_load %arg7[%swap3A_141, %swap3A_142] {strides = array<i32>} : memref<1x2048xf32, #tpu.memory_space<vmem>>, vector<16xf32>,
      tpu.vector_store %arg7[%swap3A_141, %swap3A_142], %mul3A_139 {strides = array<i32>} : memref<1x2048xf32, #tpu.memory_space<vmem>>, vector<16xf32>,
    }
    %scan3A_54 = arith.constant 16 : i32
    "tpu.region"() ({
      %run_scoped3A = tpu.sem_alloc : memref<!tpu.dma_semaphore, #tpu.memory_space<semaphore_mem>>
      %dma_start3A_55 = arith.constant 0 : i32
      %dma_start3A_56 = tpu.memref_slice %arg4[%arg1, %dma_start3A_55] : memref<16x2048xf32, #tpu.memory_space<hbm>> -> memref<1x2048xf32, #tpu.memory_space<hbm>>
      %dma_start3A_57 = arith.constant 0 : i32
      %dma_start3A_58 = tpu.memref_slice %arg4[%arg1, %dma_start3A_57] : memref<16x2048xf32, #tpu.memory_space<hbm>> -> memref<1x2048xf32, #tpu.memory_space<hbm>>
      tpu.enqueue_dma source(%arg7 : memref<1x2048xf32, #tpu.memory_space<vmem>>) target(%dma_start3A_58 : memref<1x2048xf32, #tpu.memory_space<hbm>>) target_semaphore(%run_scoped3A : memref<!tpu.dma_semaphore, #tpu.memory_space<semaphore_mem>>)
      %dma_wait3A_59 = arith.constant 0 : i32
      %dma_wait3A_60 = tpu.memref_slice %arg4[%arg1, %dma_wait3A_59] : memref<16x2048xf32, #tpu.memory_space<hbm>> -> memref<1x2048xf32, #tpu.memory_space<hbm>>
      %dma_wait3A_61 = arith.constant 0 : i32
      %dma_wait3A_62 = tpu.memref_slice %arg4[%arg1, %dma_wait3A_61] : memref<16x2048xf32, #tpu.memory_space<hbm>> -> memref<1x2048xf32, #tpu.memory_space<hbm>>
      tpu.wait_dma2 semaphore(%run_scoped3A : memref<!tpu.dma_semaphore, #tpu.memory_space<semaphore_mem>>) src(%arg7 : memref<1x2048xf32, #tpu.memory_space<vmem>>) dst(%dma_wait3A_62 : memref<1x2048xf32, #tpu.memory_space<hbm>>)
      tpu.yield
    }) : () -> ()
    return
  }
}

</mosaic_0001>

<sc_bundles>
// kernel: _pooler.3.cloned.1.call-start
scs
__scs_entry_jumppad:
0x0: {  	(pc) =	sbr.rel $0x88, $3  }
0x1: {  	(tag) =	ssettag $0x0;
	lr =	simm.s32 $0x1  }
0x2: {  	[smem:$0x3F9F] =	sst lr;
	_ =	strace $0xD0000000  }
0x3: {  	_ = 	snop  }
0x4: {  	_ = 	snop  }
0x5: {  	_ = 	snop  }
0x6: {  	_ = 	snop  }
0x7: {  	_ = 	snop  }
__scs_overlays_trampoline_lowered:
0x8: {  	[smem:$0x3FAE] =	sst s0  }
0x9: {  	[smem:$0x3FAF] =	sst s1  }
0xa: {  	[smem:$0x3FB0] =	sst s2  }
0xb: {  	[smem:$0x3FB1] =	sst s3  }
0xc: {  	[smem:$0x3FB2] =	sst s4  }
0xd: {  	[smem:$0x3FB3] =	sst s5  }
0xe: {  	[smem:$0x3FB4] =	sst s6  }
0xf: {  	[smem:$0x3FB5] =	sst s7  }
0x10: {  	[smem:$0x3FB6] =	sst s8  }
0x11: {  	[smem:$0x3FB7] =	sst s9;
	s0 =	simm.s32 @!p0 $0x0  }
0x12: {  	s1 =	sld [smem:$0x3F9D];
	s0 =	simm.s32 @p0 $0x1  }
0x13: {  	[smem:$0x3FB8] =	sst s0;
	s0 =	simm.s32 @!p1 $0x0  }
0x14: {  	s2 =	sld [smem:$0x3F9C];
	s0 =	simm.s32 @p1 $0x1  }
0x15: {  	[smem:$0x3FB9] =	sst s0;
	s0 =	simm.s32 @!p2 $0x0  }
0x16: {  	s3 =	sld [smem:$0x3FDB];
	s0 =	simm.s32 @p2 $0x1  }
0x17: {  	s4 =	simm.s32 $0x1BF5;
	[smem:$0x3FBB] =	sst s0  }
0x18: {  	s0 =	sld [smem:$0x3F9E];
	_ =	swait.ge [sflag:s4], $0x0  }
0x19: {  	s7 =	sld [smem:$0x3F9F]  }
0x1a: {  	s8 =	sadd.s32 $0xFFFFE003, lr  }
0x1b: {  	s9 =	sadd.s32 $0xFFFFFEF7, lr;
	s5 =	simm.s32 $0xFFFFFFFF;
	p2 =	slt.u32 s8, $0xFFFFF086  }
0x1c: {  	p1 =	slt.u32 s9, $0xF7A;
	s5 =	simm.s32 @!p2 $0x0  }
0x1d: {  	s5 =	simm.s32 @p1 $0x1;
	p0 =	seq.s32 s7, s2  }
0x1e: {  	s7 =	smul.u32 @!p0 $0xF7A, s2;
	p2 =	seq.s32 @!p0 s5, $0x0  }
0x1f: {  	s9 =	smul.u32 $0xF7A, s1;
	s8 =	simm.s32 @!p0 $0x1BF5;
	p2 =	por !p2, p0  }
0x20: {  	[sflag:s8] =	ssyncset.s32 @!p0 $0xFFFFF086;
	s6 =	sadd.s32 @!p0 s3, s7;
	s7 =	simm.s32 @!p0 $0x108  }
0x21: {  	s3 =	sadd.s32 s3, s9;
	s6 =	sadd.s32 @!p0 $0x88, s6;
	s7 =	simm.s32 @p2 $0x1082  }
0x22: {  	[simem:s7], [sflag:s8] =	dma.local @!p0 [hbm:s6], $0xF7A  }
0x23: {  	s9 =	sor.u32 $0xD0000000, s2;
	s6 =	simm.s32 $0x108;
	_ =	swait.ge @!p0 [sflag:s8], $0x0  }
0x24: {  	s3 =	sadd.s32 $0x88, s3;
	s6 =	simm.s32 @!p1 $0x1082;
	[sflag:s4] =	ssyncset.s32 $0xFFFFF086  }
0x25: {  	[simem:s6], [sflag:s4] =	dma.local [hbm:s3], $0xF7A  }
0x26: {  	[smem:$0x3F9F] =	sst s1;
	(tag) =	ssettag s2;
	_ =	strace s9  }
0x27: {  	s1 =	sld [smem:$0x3FAF]  }
0x28: {  	s2 =	sld [smem:$0x3FB0]  }
0x29: {  	s4 =	sld [smem:$0x3FB2]  }
0x2a: {  	p0 =	seq.s32 s5, $0x0;
	s5 =	sld [smem:$0x3FB3]  }
0x2b: {  	s6 =	sld [smem:$0x3FB4]  }
0x2c: {  	s7 =	sld [smem:$0x3FB5]  }
0x2d: {  	s3 =	simm.s32 $0x108;
	s8 =	sld [smem:$0x3FB6]  }
0x2e: {  	s3 =	simm.s32 @!p0 $0x1082;
	s9 =	sld [smem:$0x3FB7]  }
0x2f: {  	lr =	sadd.s32 s0, s3;
	s0 =	sld [smem:$0x3FAE]  }
0x30: {  	s3 =	sld [smem:$0x3FB1]  }
0x31: {  	[smem:$0x3FBA] =	sst s10  }
0x32: {  	s10 =	sld [smem:$0x3FB8];
	_ =	sdelay $0x3  }
0x33: {  	p0 =	seq.s32 s10, $0x1;
	s10 =	sld [smem:$0x3FBA];
	_ =	sdelay $0x3  }
0x34: {  	[smem:$0x3FBA] =	sst s10  }
0x35: {  	s10 =	sld [smem:$0x3FB9];
	_ =	sdelay $0x3  }
0x36: {  	p1 =	seq.s32 s10, $0x1;
	s10 =	sld [smem:$0x3FBA];
	_ =	sdelay $0x3  }
0x37: {  	[smem:$0x3FBA] =	sst s10  }
0x38: {  	s10 =	sld [smem:$0x3FBB]  }
0x39: {  	_ = 	snop;
	(pc) =	sbr.ind lr, $3  }
0x3a: {  	_ = 	snop  }
0x3b: {  	_ = 	snop  }
0x3c: {  	p2 =	seq.s32 s10, $0x1;
	s10 =	sld [smem:$0x3FBA]  }
0x3d: {  	_ =	shalt  }
0x3e: {  	_ =	shalt  }
0x3f: {  	_ =	shalt  }
0x40: {  	_ =	shalt  }
0x41: {  	_ =	shalt  }
0x42: {  	_ =	shalt  }
0x43: {  	_ =	shalt  }
0x44: {  	_ =	shalt  }
0x45: {  	_ =	shalt  }
0x46: {  	_ =	shalt  }
0x47: {  	_ =	shalt  }
0x48: {  	_ =	shalt  }
0x49: {  	_ =	shalt  }
0x4a: {  	_ =	shalt  }
0x4b: {  	_ =	shalt  }
0x4c: {  	_ =	shalt  }
0x4d: {  	_ =	shalt  }
0x4e: {  	_ =	shalt  }
0x4f: {  	_ =	shalt  }
0x50: {  	_ =	shalt  }
0x51: {  	_ =	shalt  }
0x52: {  	_ =	shalt  }
0x53: {  	_ =	shalt  }
0x54: {  	_ =	shalt  }
0x55: {  	_ =	shalt  }
0x56: {  	_ =	shalt  }
0x57: {  	_ =	shalt  }
0x58: {  	_ =	shalt  }
0x59: {  	_ =	shalt  }
0x5a: {  	_ =	shalt  }
0x5b: {  	_ =	shalt  }
0x5c: {  	_ =	shalt  }
0x5d: {  	_ =	shalt  }
0x5e: {  	_ =	shalt  }
0x5f: {  	_ =	shalt  }
0x60: {  	_ =	shalt  }
0x61: {  	_ =	shalt  }
0x62: {  	_ =	shalt  }
0x63: {  	_ =	shalt  }
0x64: {  	_ =	shalt  }
0x65: {  	_ =	shalt  }
0x66: {  	_ =	shalt  }
0x67: {  	_ =	shalt  }
0x68: {  	_ =	shalt  }
0x69: {  	_ =	shalt  }
0x6a: {  	_ =	shalt  }
0x6b: {  	_ =	shalt  }
0x6c: {  	_ =	shalt  }
0x6d: {  	_ =	shalt  }
0x6e: {  	_ =	shalt  }
0x6f: {  	_ =	shalt  }
0x70: {  	_ =	shalt  }
0x71: {  	_ =	shalt  }
0x72: {  	_ =	shalt  }
0x73: {  	_ =	shalt  }
0x74: {  	_ =	shalt  }
0x75: {  	_ =	shalt  }
0x76: {  	_ =	shalt  }
0x77: {  	_ =	shalt  }
0x78: {  	_ =	shalt  }
0x79: {  	_ =	shalt  }
0x7a: {  	_ =	shalt  }
0x7b: {  	_ =	shalt  }
0x7c: {  	_ =	shalt  }
0x7d: {  	_ =	shalt  }
0x7e: {  	_ =	shalt  }
0x7f: {  	_ =	shalt  }
0x80: {  	_ =	shalt  }
0x81: {  	_ =	shalt  }
0x82: {  	_ =	shalt  }
0x83: {  	_ =	shalt  }
0x84: {  	_ =	shalt  }
0x85: {  	_ =	shalt  }
0x86: {  	_ =	shalt  }
0x87: {  	_ =	shalt  }
.Lfunc_end0:
.L_simem_size_0:
called_computation_lowered:
.L_overlay_start_0:
0x88: {  	s0 =	sld [smem:$0x3FD9]  }
0x89: {  	s1 =	sld [smem:$0x3FFE];
	_ =	sdelay $0x3  }
0x8a: {  	s0 =	sadd.s32 s1, s0  }
0x8b: {  	[smem:$0x3FC6] =	sst s0  }
0x8c: {  	_ = 	snop  }
0x8d: {  	s0 =	sld [smem:$0x3FC9]  }
0x8e: {  	s17 =	sld [smem:$0x3FC8]  }
0x8f: {  	s2 =	sld [smem:$0x3FD0];
	(tm) =	ssettm $0x1  }
0x90: {  	s3 =	sld [smem:$0x3FFB];
	_ =	sdelay $0x3  }
0x91: {  	_ =	strace s3  }
0x92: {  	s3 =	sld [smem:$0x3FFC];
	_ =	sdelay $0x3  }
0x93: {  	_ =	strace s3  }
0x94: {  	s3 =	sld [smem:$0x3FFD];
	_ =	sdelay $0x3  }
0x95: {  	_ =	strace s3  }
0x96: {  	_ =	strace $0x8FFFFFFF  }
0x97: {  	s18 =	sld [smem:$0x3FDB];
	_ =	sdelay $0x1  }
0x98: {  	s4 =	simm.s32 $_scs_section_size  }
0x99: {  	s5 =	simm.s32 $_size__tile_overlayer_lowered;
	s6 =	simm.s32 $_tile_overlayer_lowered  }
0x9a: {  	s21 =	simm.s32 $0x1BFF;
	s20 =	sshll.u32 s6, $0x1;
	s3 =	sadd.s32 s4, s18  }
0x9b: {  	s7 =	simm.s32 $0x0;
	s19 =	sshll.u32 s5, $0x1;
	s5 =	sadd.s32 s20, s3  }
0x9c: {  	[timem:s7], [sflag:s21] =	dma.local [hbm:s5], s19  }
0x9d: {  	_ =	swait.ge [sflag:s21], s19  }
0x9e: {  	s4 =	ssub.s32 $0x0, s19;
	[sflag:s21] =	ssyncset.done $0x0  }
0x9f: {  	[sflag:s21] =	ssyncadd.s32 s4;
	_ =	sdelay $0x1  }
0xa0: {  	s22 =	simm.s32 $0x1B8B  }
0xa1: {  	_ =	swait.ge [sflag:s22], $0x1  }
0xa2: {  	[sflag:s22] =	ssyncset.done $0x0  }
0xa3: {  	s23 =	simm.s32 $0x1B8E;
	[sflag:s22] =	ssyncadd.s32 $0xFFFFFFFF  }
0xa4: {  	s24 =	simm.s32 $execute0_lowered;
	[smem:$0x3FD2] =	sst s23  }
0xa5: {  	s4 =	sshll.u32 s24, $0x1;
	_ =	strace $0x80000046;
	[dreg:$0x1] =	wrdreg $0xFFFFFFFF  }
0xa6: {  	s25 =	simm.s32 $_size_execute0_lowered;
	s3 =	sadd.s32 s3, s4;
	[dreg:$0x0] =	wrdreg $0x0  }
0xa7: {  	s4 =	sshll.u32 s25, $0x1;
	[dreg:$0x2] =	wrdreg s3  }
0xa8: {  	[dreg:$0x3] =	wrdreg s4  }
0xa9: {  	[dreg:$0x4] =	wrdreg $0xC0  }
0xaa: {  	_ =	task [dreg:s7], $0x5FFFF  }
0xab: {  	[dreg:$0x1] =	wrdreg $0xFFFFFFFF  }
0xac: {  	[dreg:$0x0] =	wrdreg $0x60  }
0xad: {  	[dreg:$0x2] =	wrdreg s0  }
0xae: {  	[dreg:$0x3] =	wrdreg s17  }
0xaf: {  	[dreg:$0x4] =	wrdreg s2  }
0xb0: {  	[dreg:$0x5] =	wrdreg $0x9  }
0xb1: {  	_ =	task.clear_ibuf [dreg:s7], $0x6FFFF;
	_ =	strace $0x90000046  }
0xb2: {  	s26 =	simm.s32 $0x9;
	_ =	strace $0x80000048  }
0xb3: {  	_ =	swait.ge [sflag:s26], $0x1  }
0xb4: {  	[sflag:s26] =	ssyncadd.s32 $0xFFFFFFFF  }
0xb5: {  	_ =	strace $0x90000048  }
0xb6: {  	_ =	sfence  }
0xb7: {  	s28 =	sld [smem:$0x0];
	_ =	sdelay $0x1  }
0xb8: {  	s29 =	srdreg.scid  }
0xb9: {  	s30 =	sshll.u32 s29, $0xD;
	s31 =	sshrl.u32 s29, $0x2  }
0xba: {  	s1 =	sand.u32 $0x1, s29;
	s2 =	sand.u32 $0x4000, s30;
	s0 =	sadd.s32 s31, s28  }
0xbb: {  	s1 =	sor.u32 s2, s1;
	s0 =	sshll.u32 s0, $0x11  }
0xbc: {  	s0 =	sor.u32 s0, s1  }
0xbd: {  	s0 =	sadd.s32 $0x8F2B, s0  }
0xbe: {  	[sflag:s0] =	ssyncadd.remote.s32 $0x1  }
0xbf: {  	_ =	sfence.sel $0xFFFF  }
0xc0: {  	[dreg:$0x0] =	wrdreg $0xFFFFFFFF;
	(pc) =	sbr.abs _section_cstart, $3  }
0xc1: {  	[dreg:$0x1] =	wrdreg $0xFFFFFFFF  }
0xc2: {  	_ =	task.clear_ibuf [dreg:s7], $0x2FFFF;
	_ =	strace $0x9FFFFFFF  }
0xc3: {  	(tm) =	ssettm $0x7FFFFFFF  }
tec
execute0_lowered:
.L_overlay_start_1:
0x0: {  	(tag) =	ssettag $0x1  }
0x1: {  	s3 =	rddreg [dreg:$0x0]  }
0x2: {  	s1 =	rddreg [dreg:$0x1]  }
0x3: {  	s2 =	rddreg [dreg:$0x2];
	s4 =	simm.s32 $0x0  }
0x4: {  	[smem:$0x7FF] =	sst s4  }
0x5: {  	s0 =	rddreg [dreg:$0x3];
	s28 =	simm.s32 $0x2;
	_ =	strace $0x80000047  }
0x6: {  	[tilespmem:s4], [sflag:$0x2] =	stream.linear.gather [hbm4b:s1+s4], $0x80, $0x38;
	[tilespmem:$0x900] =	vst v63  }
0x7: {  	_ =	swait.ge [sflag:s28], $0x80  }
0x8: {  	[sflag:s28] =	ssyncset.done $0x0  }
0x9: {  	[sflag:s28] =	ssyncadd.s32 $0xFFFFFF80  }
0xa: {  	v0 =	vld [tilespmem:$0x0];
	_ =	sdelay $0x4  }
0xb: {  	s1 =	stileid.u32;
	(xrf0) =	vadd.scan.msk.s32 $0xffff, v0  }
0xc: {  	v1 =	vlaneseq.u32;
	v0 =	vmov s1  }
0xd: {  	vm0 =	veq.s32 v0, v1  }
0xe: {  	v0 =	vimm.s32 $0x0;
	_ =	sdelay $0x2  }
0xf: {  	v2, _, _ =	vpop (xrf0)  }
0x10: {  	s5 =	simm.s32 $0x80;
	v2 =	vadd.s32 $0xFFFFFFFF, v2  }
0x11: {  	[tilespmem:v0+s5+$0x0] =	vst.idx.msk vm0, v2  }
0x12: {  	v2 =	vld.msk [tilespmem:$0x80], $0x1;
	_ =	sdelay $0x4  }
0x13: {  	v3 =	vshll.u32 v2, $0x4  }
0x14: {  	v2 =	vand.u32 $0x7, v2;
	v3 =	vand.u32 $0xFFFFFF80, v3  }
0x15: {  	v2 =	vor.u32 v2, v3  }
0x16: {  	v1 =	vmul.u32 $0x8, v1;
	v0 =	vperm.xlane v2, v0;
	_ =	sdelay $0x1  }
0x17: {  	v0 =	vadd.s32 v1, v0;
	_ =	sdelay $0x3  }
0x18: {  	vm15 =	vmmov $0xffff;
	s29 =	simm.s32 $0x100;
	s30 =	simm.s32 $0x1  }
0x19: {  	[tilespmem:s29], [sflag:$0x1] =	stream.indirect_vreg.gather [hbm4b:s3+s4], $0x80, v0, vm15, $0xb8;
	[tilespmem:$0x900] =	vst v63  }
0x1a: {  	_ =	swait.ge [sflag:s30], $0x800  }
0x1b: {  	[sflag:s30] =	ssyncset.done $0x0  }
0x1c: {  	s31 =	simm.s32 $0x0;
	[sflag:s30] =	ssyncadd.s32 $0xFFFFF800  }
0x1d: {  	v0 =	vld [tilespmem:s31+$0x100];
	_ =	sdelay $0x1  }
0x1e: {  	v1 =	vld [tilespmem:s31+$0x110];
	_ =	sdelay $0x1  }
0x1f: {  	v2 =	vld [tilespmem:s31+$0x120]  }
0x20: {  	v0 =	vmul.f32 v0, v0  }
0x21: {  	v3 =	vimm.f32 $0.0e+00;
	v4 =	vld [tilespmem:s31+$0x130]  }
0x22: {  	v1 =	vmul.f32 v1, v1;
	v0 =	vadd.f32 v0, v3;
	_ =	sdelay $0x1  }
0x23: {  	v3 =	vld [tilespmem:s31+$0x140];
	v0 =	vadd.f32 v1, v0;
	v1 =	vmul.f32 v2, v2;
	_ =	sdelay $0x1  }
0x24: {  	v5 =	vld [tilespmem:s31+$0x150];
	v0 =	vadd.f32 v1, v0;
	v1 =	vmul.f32 v4, v4;
	_ =	sdelay $0x1  }
0x25: {  	v2 =	vadd.f32 v1, v0;
	v1 =	vld [tilespmem:s31+$0x160]  }
0x26: {  	v3 =	vmul.f32 v3, v3  }
0x27: {  	v0 =	vld [tilespmem:s31+$0x170]  }
0x28: {  	s3 =	simm.s32 $0x80;
	s4 =	simm.s32 $0x400;
	v2 =	vadd.f32 v3, v2;
	v3 =	vmul.f32 v5, v5  }
.LBB2_1:
0x29: {  	p0 =	sne.s32 s4, $0x1E00;
	v4 =	vld [tilespmem:s3+$0x100]  }
0x2a: {  	v2 =	vadd.f32 v3, v2;
	v1 =	vmul.f32 v1, v1  }
0x2b: {  	v3 =	vld [tilespmem:s3+$0x110]  }
0x2c: {  	v1 =	vadd.f32 v1, v2;
	v0 =	vmul.f32 v0, v0  }
0x2d: {  	v2 =	vld [tilespmem:s3+$0x120]  }
0x2e: {  	v4 =	vmul.f32 v4, v4;
	v0 =	vadd.f32 v0, v1  }
0x2f: {  	v1 =	vld [tilespmem:s3+$0x130]  }
0x30: {  	v0 =	vadd.f32 v4, v0;
	v3 =	vmul.f32 v3, v3  }
0x31: {  	v4 =	vld [tilespmem:s3+$0x140]  }
0x32: {  	v0 =	vadd.f32 v3, v0;
	v2 =	vmul.f32 v2, v2  }
0x33: {  	v3 =	vld [tilespmem:s3+$0x150]  }
.Ltmp0:
0x34: {  	v0 =	vadd.f32 v2, v0;
	v2 =	vmul.f32 v1, v1;
	(pc) =	sbr.rel @p0 .LBB2_1-.Ltmp0, $4  }
0x35: {  	v1 =	vld [tilespmem:s3+$0x160]  }
0x36: {  	v2 =	vadd.f32 v2, v0;
	v4 =	vmul.f32 v4, v4  }
0x37: {  	v0 =	vld [tilespmem:s3+$0x170]  }
0x38: {  	s3 =	sshra.s32 s4, $0x2;
	s4 =	sadd.s32 $0x200, s4;
	v2 =	vadd.f32 v4, v2;
	v3 =	vmul.f32 v3, v3  }
0x39: {  	v4 =	vld [tilespmem:s3+$0x100]  }
0x3a: {  	v2 =	vadd.f32 v3, v2;
	v1 =	vmul.f32 v1, v1  }
0x3b: {  	v3 =	vld [tilespmem:s3+$0x110]  }
0x3c: {  	v1 =	vadd.f32 v1, v2;
	v0 =	vmul.f32 v0, v0  }
0x3d: {  	v2 =	vld [tilespmem:s3+$0x120]  }
0x3e: {  	v4 =	vmul.f32 v4, v4;
	v0 =	vadd.f32 v0, v1  }
0x3f: {  	v1 =	vld [tilespmem:s3+$0x130]  }
0x40: {  	v3 =	vmul.f32 v3, v3;
	v0 =	vadd.f32 v4, v0  }
0x41: {  	v4 =	vld [tilespmem:s3+$0x140]  }
0x42: {  	v2 =	vmul.f32 v2, v2;
	v0 =	vadd.f32 v3, v0  }
0x43: {  	v3 =	vld [tilespmem:s3+$0x150]  }
0x44: {  	v1 =	vmul.f32 v1, v1;
	v0 =	vadd.f32 v2, v0  }
0x45: {  	v2 =	vld [tilespmem:s3+$0x160]  }
0x46: {  	v0 =	vadd.f32 v1, v0;
	v1 =	vmul.f32 v4, v4  }
0x47: {  	v4 =	vld [tilespmem:s3+$0x170]  }
0x48: {  	v0 =	vadd.f32 v1, v0;
	v1 =	vmul.f32 v3, v3;
	_ =	sdelay $0x1  }
0x49: {  	v0 =	vadd.f32 v1, v0;
	v1 =	vmul.f32 v2, v2;
	_ =	sdelay $0x1  }
0x4a: {  	v0 =	vadd.f32 v1, v0;
	v1 =	vmul.f32 v4, v4;
	_ =	sdelay $0x1  }
0x4b: {  	v0 =	vadd.f32 v1, v0;
	_ =	sdelay $0x1  }
0x4c: {  	(xrf2) =	vadd.scan.msk.f32 $0xffff, v0;
	_ =	sdelay $0x9  }
0x4d: {  	v0, _, _ =	vpop (xrf2)  }
0x4e: {  	v0 =	vmax.f32 v0, $1.000000020e-24  }
0x4f: {  	v0 =	vbroadcast v0, $0xF;
	_ =	sdelay $0x1  }
0x50: {  	v1 =	vshra.s32 v0, $0x1;
	v0 =	vmul.f32 $5.000000000e-01, v0  }
0x51: {  	v1 =	vsub.s32 $0x5F3759DF, v1  }
0x52: {  	v2 =	vmul.f32 v1, v0;
	_ =	sdelay $0x1  }
0x53: {  	v2 =	vmul.f32 v1, v2;
	_ =	sdelay $0x1  }
0x54: {  	v2 =	vsub.f32 $1.500000000e+00, v2;
	_ =	sdelay $0x1  }
0x55: {  	v1 =	vmul.f32 v1, v2;
	_ =	sdelay $0x1  }
0x56: {  	v2 =	vmul.f32 v1, v0;
	_ =	sdelay $0x1  }
0x57: {  	v2 =	vmul.f32 v2, v1;
	_ =	sdelay $0x1  }
0x58: {  	v2 =	vsub.f32 $1.500000000e+00, v2;
	_ =	sdelay $0x1  }
0x59: {  	v2 =	vmul.f32 v2, v1;
	_ =	sdelay $0x1  }
0x5a: {  	v0 =	vmul.f32 v2, v0;
	_ =	sdelay $0x1  }
0x5b: {  	s3 =	simm.s32 $0x0;
	v0 =	vmul.f32 v0, v2  }
0x5c: {  	v4 =	vld [tilespmem:s3+$0x100]  }
0x5d: {  	v6 =	vld [tilespmem:s3+$0x110];
	v0 =	vsub.f32 $1.500000000e+00, v0  }
0x5e: {  	v5 =	vld [tilespmem:s3+$0x120]  }
0x5f: {  	v1 =	vld [tilespmem:s3+$0x130];
	v0 =	vmul.f32 v0, v2  }
0x60: {  	v2 =	vld [tilespmem:s3+$0x140]  }
0x61: {  	v3 =	vld [tilespmem:s3+$0x150];
	v7 =	vmul.f32 v4, v0  }
0x62: {  	s4 =	simm.s32 $0x200;
	v6 =	vmul.f32 v6, v0;
	v4 =	vld [tilespmem:s3+$0x160]  }
.LBB2_3:
0x63: {  	s5 =	sshra.s32 s4, $0x2;
	p0 =	sne.s32 s4, $0x1E00;
	[tilespmem:s3+$0x100] =	vst v7;
	v5 =	vmul.f32 v5, v0;
	v7 =	vld [tilespmem:s3+$0x170]  }
0x64: {  	v8 =	vld [tilespmem:s5+$0x100];
	[tilespmem:s3+$0x110] =	vst v6;
	v1 =	vmul.f32 v1, v0  }
0x65: {  	v6 =	vld [tilespmem:s5+$0x110];
	[tilespmem:s3+$0x120] =	vst v5;
	v2 =	vmul.f32 v2, v0  }
.Ltmp1:
0x66: {  	v5 =	vld [tilespmem:s5+$0x120];
	[tilespmem:s3+$0x130] =	vst v1;
	v3 =	vmul.f32 v3, v0;
	(pc) =	sbr.rel @p0 .LBB2_3-.Ltmp1, $4  }
0x67: {  	v1 =	vld [tilespmem:s5+$0x130];
	[tilespmem:s3+$0x140] =	vst v2;
	v4 =	vmul.f32 v4, v0  }
0x68: {  	v2 =	vld [tilespmem:s5+$0x140];
	[tilespmem:s3+$0x150] =	vst v3;
	v9 =	vmul.f32 v7, v0  }
0x69: {  	v7 =	vmul.f32 v8, v0;
	v3 =	vld [tilespmem:s5+$0x150];
	[tilespmem:s3+$0x160] =	vst v4  }
0x6a: {  	s4 =	sadd.s32 $0x200, s4;
	v6 =	vmul.f32 v6, v0;
	v4 =	vld [tilespmem:s5+$0x160];
	[tilespmem:s3+$0x170] =	vst v9;
	s3 =	smov.u32 s5  }
0x6b: {  	[tilespmem:s3+$0x100] =	vst v7;
	v5 =	vmul.f32 v5, v0;
	v60 =	vld [tilespmem:s3+$0x170]  }
0x6c: {  	[tilespmem:s3+$0x110] =	vst v6;
	v1 =	vmul.f32 v1, v0  }
0x6d: {  	[tilespmem:s3+$0x120] =	vst v5;
	v2 =	vmul.f32 v2, v0  }
0x6e: {  	[tilespmem:s3+$0x130] =	vst v1;
	v61 =	vmul.f32 v3, v0  }
0x6f: {  	s4 =	sshll.u32 s1, $0x4;
	[tilespmem:s3+$0x140] =	vst v2;
	v62 =	vmul.f32 v4, v0  }
0x70: {  	s5 =	sshll.u32 s1, $0x8;
	s28 =	simm.s32 $0x80;
	s4 =	sand.u32 $0x70, s4;
	[tilespmem:s3+$0x150] =	vst v61;
	v63 =	vmul.f32 v60, v0  }
0x71: {  	s29 =	simm.s32 $0x400;
	s5 =	sand.u32 $0x800, s5;
	s2 =	sadd.s32 s2, s4;
	[tilespmem:s3+$0x160] =	vst v62  }
0x72: {  	s30 =	simm.s32 $0x100;
	s31 =	simm.s32 $0x2;
	s2 =	sadd.s32 s5, s2;
	[tilespmem:s3+$0x170] =	vst v63  }
0x73: {  	[hbm4b:s2+s28] =	stream.strided.scatter [tilespmem:s30], [sflag:$0x2], $0x800, s29, s28, $0x38;
	[tilespmem:$0x900] =	vst v63  }
0x74: {  	_ =	swait.ge [sflag:s31], $0x800  }
0x75: {  	[sflag:s31] =	ssyncset.done $0x0  }
0x76: {  	[sflag:s31] =	ssyncadd.s32 $0xFFFFF800  }
0x77: {  	_ =	sfence.sel $0x180000  }
0x78: {  	[bflag:$0x0] =	sbarrier.arrive $0xFFFF  }
0x79: {  	p0 =	sne.s32 s1, $0x0;
	_ =	strace $0x90000047  }
0x7a: {  	s0 =	sadd.s32 @!p0 $0x100000, s0;
	[bflag:$0x2] =	sbarrier.arrive $0xFFFF  }
0x7b: {  	[sflag:s0] =	ssyncadd.tile.s32 @!p0 $0x1;
	_ =	shalt  }
.Lfunc_end2:
_tile_overlayer_lowered:
.L_overlay_start_2:
0x7c: {  	(tag) =	ssettag $0x2  }
0x7d: {  	s0 =	rddreg [dreg:$0x0];
	s2 =	stileid.u32  }
0x7e: {  	s1 =	rddreg [dreg:$0x1];
	p0 =	sne.s32 s2, $0x0  }
0x7f: {  	s3 =	rddreg [dreg:$0x2];
	[bflag:$0x3] =	sbarrier.arrive $0xFFFF;
	s2 =	simm.s32 @!p0 $0x1C02  }
0x80: {  	[timem:s3], [sflag:s2] =	dma.local @!p0 [hbm:s0], s1  }
0x81: {  	s0 =	simm.s32 @!p0 $0x2  }
0x82: {  	_ =	swait.ge @!p0 [sflag:s0], s1  }
0x83: {  	s1 =	ssub.s32 @!p0 $0x0, s1;
	[sflag:s0] =	ssyncset.done @!p0 $0x0  }
0x84: {  	[sflag:s0] =	ssyncadd.s32 @!p0 s1  }
0x85: {  	[bflag:$0x3] =	sbarrier.arrive $0xFFFF  }
0x86: {  	_ =	shalt  }

</sc_bundles>
